<compile_context>
chip_gen: v7x
topology: tpu7x:2x2x1
jax: 0.10.2.dev20260603
libtpu: 0.0.44.dev20260713+nightly
codegen_flags: <defaults>
</compile_context>

<pallas_src>
import functools

import jax
import jax.numpy as jnp
from jax import lax
from jax.experimental import pallas as pl
from jax.experimental.pallas import tpu as pltpu
from jax.experimental.pallas import tpu_sc as plsc


def _lse_body(x_ref, out_ref, *, nblocks):
    x = x_ref[...]
    m = jnp.max(x, axis=-1, keepdims=True)
    s = jnp.sum(jnp.exp(x - m), axis=-1, keepdims=True)
    lse = m + jnp.log(s)
    part = jnp.sum(lse, keepdims=True).reshape(1, 1)

    i = pl.program_id(0)

    @pl.when(i == 0)
    def _init():
        out_ref[...] = jnp.zeros((1, 1), jnp.float32)

    out_ref[...] += part


@functools.partial(jax.jit, static_argnames=("block_tokens",))
def _lse_sum(logits_flat, block_tokens):
    num_tokens, vocab = logits_flat.shape
    nblocks = num_tokens // block_tokens
    out = pl.pallas_call(
        functools.partial(_lse_body, nblocks=nblocks),
        grid=(nblocks,),
        in_specs=[pl.BlockSpec((block_tokens, vocab), lambda i: (i, 0))],
        out_specs=pl.BlockSpec((1, 1), lambda i: (0, 0)),
        out_shape=jax.ShapeDtypeStruct((1, 1), jnp.float32),
    )(logits_flat)
    return out[0, 0]


def _sc_tgt_sum(logits_1d, targets, num_tokens, vocab):
    n_workers = 32
    per_w = num_tokens // n_workers
    n_chunks = per_w // 16
    mesh = plsc.VectorSubcoreMesh(core_axis_name="c", subcore_axis_name="s")

    @functools.partial(
        pl.kernel,
        mesh=mesh,
        out_type=jax.ShapeDtypeStruct((2, 16), jnp.float32),
        scratch_types=[
            pltpu.VMEM((per_w,), jnp.int32),
            pltpu.VMEM((per_w,), jnp.float32),
            pltpu.VMEM((16,), jnp.float32),
            pltpu.VMEM((16, 16), jnp.float32),
            pltpu.VMEM_SHARED((16, 16), jnp.float32),
            pltpu.SemaphoreType.DMA,
        ],
    )
    def k(flat_hbm, tgt_hbm, out_hbm, idx_v, rows_v, acc_v, all_v, shared, sem):
        c = lax.axis_index("c")
        s = lax.axis_index("s")
        wid = s * 2 + c
        base = wid * per_w
        pltpu.sync_copy(tgt_hbm.at[pl.ds(base, per_w)], idx_v)
        for i in range(n_chunks):
            t = idx_v[pl.ds(i * 16, 16)]
            row = base + i * 16 + lax.iota(jnp.int32, 16)
            idx_v[pl.ds(i * 16, 16)] = row * vocab + t
        pltpu.async_copy(flat_hbm.at[idx_v], rows_v, sem).wait()
        acc = jnp.zeros((16,), jnp.float32)
        for i in range(n_chunks):
            acc = acc + rows_v[pl.ds(i * 16, 16)]
        acc_v[...] = acc
        pltpu.sync_copy(acc_v, shared.at[s])
        plsc.subcore_barrier()

        @pl.when(s == 0)
        def _():
            pltpu.sync_copy(shared, all_v)
            tot = jnp.zeros((16,), jnp.float32)
            for r in range(16):
                tot = tot + all_v[r]
            acc_v[...] = tot
            pltpu.sync_copy(acc_v, out_hbm.at[c])

    return k(logits_1d, targets)


def kernel(logits, targets):
    vocab = logits.shape[-1]
    logits_flat = logits.reshape(-1, vocab)
    num_tokens = logits_flat.shape[0]
    targets_flat = targets.reshape(-1).astype(jnp.int32)

    tgt_partials = _sc_tgt_sum(
        logits_flat.reshape(-1), targets_flat, num_tokens, vocab
    )
    lse_sum = 0.0
    tgt_sum = jnp.sum(tgt_partials)
    return (lse_sum - tgt_sum) * (1.0 / num_tokens)

# --- scband reference (transcript-rebuilt; emitter-appended) ---
"""Pipeline reference for scband-cggrloss-19224273617325 (READ-ONLY COPY).

The authoritative reference and input builder live on the scoring server;
editing this copy changes nothing except your own understanding.
"""

import jax, jax.numpy as jnp
import numpy as np

B, S, V = 2, 2048, 32000
MIN_TOKENS_RATIO = 0.25
WARMUP_STEPS = 1000
STEP_COUNT = 0  # buffer initialized to 0


def setup_inputs(seed: int = 0) -> dict:
    key = jax.random.key(seed)
    k1, k2 = jax.random.split(key)
    logits = jax.random.normal(k1, (B, S, V), dtype=jnp.float32)
    targets = jax.random.randint(k2, (B, S), 0, V, dtype=jnp.int32)
    return {"logits": logits, "targets": targets}


def _difficulty_score(logits_flat):
    # Faithful reimplementation of triton_fused_difficulty_score:
    # fused softmax stats -> confidence (max prob), entropy, difficulty.
    logp = jax.nn.log_softmax(logits_flat, axis=-1)
    p = jnp.exp(logp)
    confidence = jnp.max(p, axis=-1)
    entropy = -jnp.sum(p * logp, axis=-1)
    vocab = logits_flat.shape[-1]
    difficulty = (1.0 - confidence) + entropy / jnp.log(float(vocab))
    return difficulty, confidence, entropy


def reference(logits, targets):
    vocab = logits.shape[-1]
    logits_flat = logits.reshape(-1, vocab)
    targets_flat = targets.reshape(-1)
    num_tokens = logits_flat.shape[0]

    # per-token cross entropy (reduction='none')
    lse = jax.nn.logsumexp(logits_flat, axis=-1)
    tgt_logit = jnp.take_along_axis(logits_flat, targets_flat[:, None].astype(jnp.int32), axis=-1)[:, 0]
    per_token_loss = lse - tgt_logit

    # difficulty selection (no grad)
    difficulty, confidence, entropy = _difficulty_score(jax.lax.stop_gradient(logits_flat))
    difficulty = difficulty.reshape(-1)

    progress = min(1.0, STEP_COUNT / max(1, WARMUP_STEPS))
    current_ratio = 1.0 - progress * (1.0 - MIN_TOKENS_RATIO)
    k = max(1, int(num_tokens * current_ratio))

    _, hard_indices = jax.lax.top_k(difficulty, k)
    mask = jnp.zeros((num_tokens,), dtype=logits.dtype).at[hard_indices].set(1.0)
    mask = jax.lax.stop_gradient(mask)

    masked_loss = per_token_loss * mask
    loss = masked_loss.sum() / mask.sum()
    return loss

if __name__ == "__main__":
    import jax
    _d = setup_inputs()
    print(jax.jit(kernel)(*tuple(_d.values())))

</pallas_src>

<mosaic_0001>
#map = affine_map<(d0, d1) -> (0)>
#map1 = affine_map<(d0, d1) -> (0, 0)>
module attributes {stable_mosaic.version = 14 : i64} {
  func.func @k(%arg0: i32, %arg1: i32, %arg2: memref<131072000xf32, #tpu.memory_space<hbm>>, %arg3: memref<4096xi32, #tpu.memory_space<hbm>>, %arg4: memref<2x16xf32, #tpu.memory_space<hbm>>, %arg5: memref<128xi32, #tpu.memory_space<vmem>>, %arg6: memref<128xf32, #tpu.memory_space<vmem>>, %arg7: memref<16xf32, #tpu.memory_space<vmem>>, %arg8: memref<16x16xf32, #tpu.memory_space<vmem>>, %arg9: memref<16x16xf32, #tpu.memory_space<vmem_shared>>, %arg10: memref<!tpu.dma_semaphore, #tpu.memory_space<semaphore_mem>>) attributes {dimension_semantics = [#tpu.dimension_semantics<core_parallel>, #tpu.dimension_semantics<subcore_parallel>], iteration_bounds = array<i64: 2, 16>, scalar_prefetch = 0 : i64, scratch_operands = 6 : i64, tpu.core_type = #tpu.core_type<sc_vector_subcore>, window_params = [{transform_indices = #map}, {transform_indices = #map}, {transform_indices = #map1}]} {
    %mul3A = arith.constant 2 : i32
    %mul3A_0 = arith.muli %arg1, %mul3A : i32
    %add3A = arith.addi %mul3A_0, %arg0 : i32
    %mul3A_1 = arith.constant 128 : i32
    %mul3A_2 = arith.muli %add3A, %mul3A_1 : i32
    "tpu.region"() ({
      %run_scoped3A = tpu.sem_alloc : memref<!tpu.dma_semaphore, #tpu.memory_space<semaphore_mem>>
      %dma_start3A_169 = tpu.memref_slice %arg3[%mul3A_2] : memref<4096xi32, #tpu.memory_space<hbm>> -> memref<128xi32, #tpu.memory_space<hbm>>
      %dma_start3A_170 = tpu.memref_slice %arg3[%mul3A_2] : memref<4096xi32, #tpu.memory_space<hbm>> -> memref<128xi32, #tpu.memory_space<hbm>>
      tpu.enqueue_dma source(%dma_start3A_170 : memref<128xi32, #tpu.memory_space<hbm>>) target(%arg5 : memref<128xi32, #tpu.memory_space<vmem>>) target_semaphore(%run_scoped3A : memref<!tpu.dma_semaphore, #tpu.memory_space<semaphore_mem>>)
      %dma_wait3A_171 = tpu.memref_slice %arg3[%mul3A_2] : memref<4096xi32, #tpu.memory_space<hbm>> -> memref<128xi32, #tpu.memory_space<hbm>>
      %dma_wait3A_172 = tpu.memref_slice %arg3[%mul3A_2] : memref<4096xi32, #tpu.memory_space<hbm>> -> memref<128xi32, #tpu.memory_space<hbm>>
      tpu.wait_dma2 semaphore(%run_scoped3A : memref<!tpu.dma_semaphore, #tpu.memory_space<semaphore_mem>>) src(%dma_wait3A_172 : memref<128xi32, #tpu.memory_space<hbm>>) dst(%arg5 : memref<128xi32, #tpu.memory_space<vmem>>)
      tpu.yield
    }) : () -> ()
    %get3A = arith.constant 0 : index
    %get3A_3 = tpu.vector_load %arg5[%get3A] {strides = array<i32>} : memref<128xi32, #tpu.memory_space<vmem>>, vector<16xi32>,
    %get3A_4 = vector.shape_cast %get3A_3 : vector<16xi32> to vector<16xi32>
    %add3A_5 = arith.constant 0 : i32
    %add3A_6 = arith.addi %mul3A_2, %add3A_5 : i32
    %iota3A = tpu.iota {dimensions = array<i32: 0>} : vector<16xi32>
    %add3A_7 = vector.broadcast %add3A_6 : i32 to vector<16xi32>
    %add3A_8 = arith.addi %add3A_7, %iota3A : vector<16xi32>
    %mul3A_9 = arith.constant 32000 : i32
    %mul3A_10 = vector.broadcast %mul3A_9 : i32 to vector<16xi32>
    %mul3A_11 = arith.muli %add3A_8, %mul3A_10 : vector<16xi32>
    %add3A_12 = arith.addi %mul3A_11, %get3A_4 : vector<16xi32>
    %swap3A = arith.constant 0 : index
    %swap3A_13 = tpu.vector_load %arg5[%swap3A] {strides = array<i32>} : memref<128xi32, #tpu.memory_space<vmem>>, vector<16xi32>,
    %swap3A_14 = vector.shape_cast %swap3A_13 : vector<16xi32> to vector<16xi32>
    %swap3A_15 = vector.shape_cast %add3A_12 : vector<16xi32> to vector<16xi32>
    tpu.vector_store %arg5[%swap3A], %swap3A_15 {strides = array<i32>} : memref<128xi32, #tpu.memory_space<vmem>>, vector<16xi32>,
    %get3A_16 = arith.constant 16 : index
    %get3A_17 = tpu.vector_load %arg5[%get3A_16] {strides = array<i32>} : memref<128xi32, #tpu.memory_space<vmem>>, vector<16xi32>,
    %get3A_18 = vector.shape_cast %get3A_17 : vector<16xi32> to vector<16xi32>
    %add3A_19 = arith.constant 16 : i32
    %add3A_20 = arith.addi %mul3A_2, %add3A_19 : i32
    %iota3A_21 = tpu.iota {dimensions = array<i32: 0>} : vector<16xi32>
    %add3A_22 = vector.broadcast %add3A_20 : i32 to vector<16xi32>
    %add3A_23 = arith.addi %add3A_22, %iota3A_21 : vector<16xi32>
    %mul3A_24 = arith.constant 32000 : i32
    %mul3A_25 = vector.broadcast %mul3A_24 : i32 to vector<16xi32>
    %mul3A_26 = arith.muli %add3A_23, %mul3A_25 : vector<16xi32>
    %add3A_27 = arith.addi %mul3A_26, %get3A_18 : vector<16xi32>
    %swap3A_28 = arith.constant 16 : index
    %swap3A_29 = tpu.vector_load %arg5[%swap3A_28] {strides = array<i32>} : memref<128xi32, #tpu.memory_space<vmem>>, vector<16xi32>,
    %swap3A_30 = vector.shape_cast %swap3A_29 : vector<16xi32> to vector<16xi32>
    %swap3A_31 = vector.shape_cast %add3A_27 : vector<16xi32> to vector<16xi32>
    tpu.vector_store %arg5[%swap3A_28], %swap3A_31 {strides = array<i32>} : memref<128xi32, #tpu.memory_space<vmem>>, vector<16xi32>,
    %get3A_32 = arith.constant 32 : index
    %get3A_33 = tpu.vector_load %arg5[%get3A_32] {strides = array<i32>} : memref<128xi32, #tpu.memory_space<vmem>>, vector<16xi32>,
    %get3A_34 = vector.shape_cast %get3A_33 : vector<16xi32> to vector<16xi32>
    %add3A_35 = arith.constant 32 : i32
    %add3A_36 = arith.addi %mul3A_2, %add3A_35 : i32
    %iota3A_37 = tpu.iota {dimensions = array<i32: 0>} : vector<16xi32>
    %add3A_38 = vector.broadcast %add3A_36 : i32 to vector<16xi32>
    %add3A_39 = arith.addi %add3A_38, %iota3A_37 : vector<16xi32>
    %mul3A_40 = arith.constant 32000 : i32
    %mul3A_41 = vector.broadcast %mul3A_40 : i32 to vector<16xi32>
    %mul3A_42 = arith.muli %add3A_39, %mul3A_41 : vector<16xi32>
    %add3A_43 = arith.addi %mul3A_42, %get3A_34 : vector<16xi32>
    %swap3A_44 = arith.constant 32 : index
    %swap3A_45 = tpu.vector_load %arg5[%swap3A_44] {strides = array<i32>} : memref<128xi32, #tpu.memory_space<vmem>>, vector<16xi32>,
    %swap3A_46 = vector.shape_cast %swap3A_45 : vector<16xi32> to vector<16xi32>
    %swap3A_47 = vector.shape_cast %add3A_43 : vector<16xi32> to vector<16xi32>
    tpu.vector_store %arg5[%swap3A_44], %swap3A_47 {strides = array<i32>} : memref<128xi32, #tpu.memory_space<vmem>>, vector<16xi32>,
    %get3A_48 = arith.constant 48 : index
    %get3A_49 = tpu.vector_load %arg5[%get3A_48] {strides = array<i32>} : memref<128xi32, #tpu.memory_space<vmem>>, vector<16xi32>,
    %get3A_50 = vector.shape_cast %get3A_49 : vector<16xi32> to vector<16xi32>
    %add3A_51 = arith.constant 48 : i32
    %add3A_52 = arith.addi %mul3A_2, %add3A_51 : i32
    %iota3A_53 = tpu.iota {dimensions = array<i32: 0>} : vector<16xi32>
    %add3A_54 = vector.broadcast %add3A_52 : i32 to vector<16xi32>
    %add3A_55 = arith.addi %add3A_54, %iota3A_53 : vector<16xi32>
    %mul3A_56 = arith.constant 32000 : i32
    %mul3A_57 = vector.broadcast %mul3A_56 : i32 to vector<16xi32>
    %mul3A_58 = arith.muli %add3A_55, %mul3A_57 : vector<16xi32>
    %add3A_59 = arith.addi %mul3A_58, %get3A_50 : vector<16xi32>
    %swap3A_60 = arith.constant 48 : index
    %swap3A_61 = tpu.vector_load %arg5[%swap3A_60] {strides = array<i32>} : memref<128xi32, #tpu.memory_space<vmem>>, vector<16xi32>,
    %swap3A_62 = vector.shape_cast %swap3A_61 : vector<16xi32> to vector<16xi32>
    %swap3A_63 = vector.shape_cast %add3A_59 : vector<16xi32> to vector<16xi32>
    tpu.vector_store %arg5[%swap3A_60], %swap3A_63 {strides = array<i32>} : memref<128xi32, #tpu.memory_space<vmem>>, vector<16xi32>,
    %get3A_64 = arith.constant 64 : index
    %get3A_65 = tpu.vector_load %arg5[%get3A_64] {strides = array<i32>} : memref<128xi32, #tpu.memory_space<vmem>>, vector<16xi32>,
    %get3A_66 = vector.shape_cast %get3A_65 : vector<16xi32> to vector<16xi32>
    %add3A_67 = arith.constant 64 : i32
    %add3A_68 = arith.addi %mul3A_2, %add3A_67 : i32
    %iota3A_69 = tpu.iota {dimensions = array<i32: 0>} : vector<16xi32>
    %add3A_70 = vector.broadcast %add3A_68 : i32 to vector<16xi32>
    %add3A_71 = arith.addi %add3A_70, %iota3A_69 : vector<16xi32>
    %mul3A_72 = arith.constant 32000 : i32
    %mul3A_73 = vector.broadcast %mul3A_72 : i32 to vector<16xi32>
    %mul3A_74 = arith.muli %add3A_71, %mul3A_73 : vector<16xi32>
    %add3A_75 = arith.addi %mul3A_74, %get3A_66 : vector<16xi32>
    %swap3A_76 = arith.constant 64 : index
    %swap3A_77 = tpu.vector_load %arg5[%swap3A_76] {strides = array<i32>} : memref<128xi32, #tpu.memory_space<vmem>>, vector<16xi32>,
    %swap3A_78 = vector.shape_cast %swap3A_77 : vector<16xi32> to vector<16xi32>
    %swap3A_79 = vector.shape_cast %add3A_75 : vector<16xi32> to vector<16xi32>
    tpu.vector_store %arg5[%swap3A_76], %swap3A_79 {strides = array<i32>} : memref<128xi32, #tpu.memory_space<vmem>>, vector<16xi32>,
    %get3A_80 = arith.constant 80 : index
    %get3A_81 = tpu.vector_load %arg5[%get3A_80] {strides = array<i32>} : memref<128xi32, #tpu.memory_space<vmem>>, vector<16xi32>,
    %get3A_82 = vector.shape_cast %get3A_81 : vector<16xi32> to vector<16xi32>
    %add3A_83 = arith.constant 80 : i32
    %add3A_84 = arith.addi %mul3A_2, %add3A_83 : i32
    %iota3A_85 = tpu.iota {dimensions = array<i32: 0>} : vector<16xi32>
    %add3A_86 = vector.broadcast %add3A_84 : i32 to vector<16xi32>
    %add3A_87 = arith.addi %add3A_86, %iota3A_85 : vector<16xi32>
    %mul3A_88 = arith.constant 32000 : i32
    %mul3A_89 = vector.broadcast %mul3A_88 : i32 to vector<16xi32>
    %mul3A_90 = arith.muli %add3A_87, %mul3A_89 : vector<16xi32>
    %add3A_91 = arith.addi %mul3A_90, %get3A_82 : vector<16xi32>
    %swap3A_92 = arith.constant 80 : index
    %swap3A_93 = tpu.vector_load %arg5[%swap3A_92] {strides = array<i32>} : memref<128xi32, #tpu.memory_space<vmem>>, vector<16xi32>,
    %swap3A_94 = vector.shape_cast %swap3A_93 : vector<16xi32> to vector<16xi32>
    %swap3A_95 = vector.shape_cast %add3A_91 : vector<16xi32> to vector<16xi32>
    tpu.vector_store %arg5[%swap3A_92], %swap3A_95 {strides = array<i32>} : memref<128xi32, #tpu.memory_space<vmem>>, vector<16xi32>,
    %get3A_96 = arith.constant 96 : index
    %get3A_97 = tpu.vector_load %arg5[%get3A_96] {strides = array<i32>} : memref<128xi32, #tpu.memory_space<vmem>>, vector<16xi32>,
    %get3A_98 = vector.shape_cast %get3A_97 : vector<16xi32> to vector<16xi32>
    %add3A_99 = arith.constant 96 : i32
    %add3A_100 = arith.addi %mul3A_2, %add3A_99 : i32
    %iota3A_101 = tpu.iota {dimensions = array<i32: 0>} : vector<16xi32>
    %add3A_102 = vector.broadcast %add3A_100 : i32 to vector<16xi32>
    %add3A_103 = arith.addi %add3A_102, %iota3A_101 : vector<16xi32>
    %mul3A_104 = arith.constant 32000 : i32
    %mul3A_105 = vector.broadcast %mul3A_104 : i32 to vector<16xi32>
    %mul3A_106 = arith.muli %add3A_103, %mul3A_105 : vector<16xi32>
    %add3A_107 = arith.addi %mul3A_106, %get3A_98 : vector<16xi32>
    %swap3A_108 = arith.constant 96 : index
    %swap3A_109 = tpu.vector_load %arg5[%swap3A_108] {strides = array<i32>} : memref<128xi32, #tpu.memory_space<vmem>>, vector<16xi32>,
    %swap3A_110 = vector.shape_cast %swap3A_109 : vector<16xi32> to vector<16xi32>
    %swap3A_111 = vector.shape_cast %add3A_107 : vector<16xi32> to vector<16xi32>
    tpu.vector_store %arg5[%swap3A_108], %swap3A_111 {strides = array<i32>} : memref<128xi32, #tpu.memory_space<vmem>>, vector<16xi32>,
    %get3A_112 = arith.constant 112 : index
    %get3A_113 = tpu.vector_load %arg5[%get3A_112] {strides = array<i32>} : memref<128xi32, #tpu.memory_space<vmem>>, vector<16xi32>,
    %get3A_114 = vector.shape_cast %get3A_113 : vector<16xi32> to vector<16xi32>
    %add3A_115 = arith.constant 112 : i32
    %add3A_116 = arith.addi %mul3A_2, %add3A_115 : i32
    %iota3A_117 = tpu.iota {dimensions = array<i32: 0>} : vector<16xi32>
    %add3A_118 = vector.broadcast %add3A_116 : i32 to vector<16xi32>
    %add3A_119 = arith.addi %add3A_118, %iota3A_117 : vector<16xi32>
    %mul3A_120 = arith.constant 32000 : i32
    %mul3A_121 = vector.broadcast %mul3A_120 : i32 to vector<16xi32>
    %mul3A_122 = arith.muli %add3A_119, %mul3A_121 : vector<16xi32>
    %add3A_123 = arith.addi %mul3A_122, %get3A_114 : vector<16xi32>
    %swap3A_124 = arith.constant 112 : index
    %swap3A_125 = tpu.vector_load %arg5[%swap3A_124] {strides = array<i32>} : memref<128xi32, #tpu.memory_space<vmem>>, vector<16xi32>,
    %swap3A_126 = vector.shape_cast %swap3A_125 : vector<16xi32> to vector<16xi32>
    %swap3A_127 = vector.shape_cast %add3A_123 : vector<16xi32> to vector<16xi32>
    tpu.vector_store %arg5[%swap3A_124], %swap3A_127 {strides = array<i32>} : memref<128xi32, #tpu.memory_space<vmem>>, vector<16xi32>,
    %dma_start3A = arith.constant 0 : i32
    %dma_start3A_128 = tpu.memref_slice %arg2[%dma_start3A] : memref<131072000xf32, #tpu.memory_space<hbm>> -> memref<131072000xf32, #tpu.memory_space<hbm>>
    tpu.enqueue_indirect_dma source(%dma_start3A_128 : memref<131072000xf32, #tpu.memory_space<hbm>>) target(%arg6 : memref<128xf32, #tpu.memory_space<vmem>>) offsets(%arg5 : memref<128xi32, #tpu.memory_space<vmem>>) semaphore(%arg10 : memref<!tpu.dma_semaphore, #tpu.memory_space<semaphore_mem>>)
    %dma_wait3A = arith.constant 0 : i32
    %dma_wait3A_129 = tpu.memref_slice %arg2[%dma_wait3A] : memref<131072000xf32, #tpu.memory_space<hbm>> -> memref<131072000xf32, #tpu.memory_space<hbm>>
    tpu.wait_indirect_dma semaphore(%arg10 : memref<!tpu.dma_semaphore, #tpu.memory_space<semaphore_mem>>) src(%dma_wait3A_129 : memref<131072000xf32, #tpu.memory_space<hbm>>) dst(%arg6 : memref<128xf32, #tpu.memory_space<vmem>>)
    %broadcast_in_dim3A = arith.constant 0.000000e+00 : f32
    %broadcast_in_dim3A_130 = vector.broadcast %broadcast_in_dim3A : f32 to vector<16xf32>
    %get3A_131 = arith.constant 0 : index
    %get3A_132 = tpu.vector_load %arg6[%get3A_131] {strides = array<i32>} : memref<128xf32, #tpu.memory_space<vmem>>, vector<16xf32>,
    %get3A_133 = vector.shape_cast %get3A_132 : vector<16xf32> to vector<16xf32>
    %add3A_134 = arith.addf %broadcast_in_dim3A_130, %get3A_133 : vector<16xf32>
    %get3A_135 = arith.constant 16 : index
    %get3A_136 = tpu.vector_load %arg6[%get3A_135] {strides = array<i32>} : memref<128xf32, #tpu.memory_space<vmem>>, vector<16xf32>,
    %get3A_137 = vector.shape_cast %get3A_136 : vector<16xf32> to vector<16xf32>
    %add3A_138 = arith.addf %add3A_134, %get3A_137 : vector<16xf32>
    %get3A_139 = arith.constant 32 : index
    %get3A_140 = tpu.vector_load %arg6[%get3A_139] {strides = array<i32>} : memref<128xf32, #tpu.memory_space<vmem>>, vector<16xf32>,
    %get3A_141 = vector.shape_cast %get3A_140 : vector<16xf32> to vector<16xf32>
    %add3A_142 = arith.addf %add3A_138, %get3A_141 : vector<16xf32>
    %get3A_143 = arith.constant 48 : index
    %get3A_144 = tpu.vector_load %arg6[%get3A_143] {strides = array<i32>} : memref<128xf32, #tpu.memory_space<vmem>>, vector<16xf32>,
    %get3A_145 = vector.shape_cast %get3A_144 : vector<16xf32> to vector<16xf32>
    %add3A_146 = arith.addf %add3A_142, %get3A_145 : vector<16xf32>
    %get3A_147 = arith.constant 64 : index
    %get3A_148 = tpu.vector_load %arg6[%get3A_147] {strides = array<i32>} : memref<128xf32, #tpu.memory_space<vmem>>, vector<16xf32>,
    %get3A_149 = vector.shape_cast %get3A_148 : vector<16xf32> to vector<16xf32>
    %add3A_150 = arith.addf %add3A_146, %get3A_149 : vector<16xf32>
    %get3A_151 = arith.constant 80 : index
    %get3A_152 = tpu.vector_load %arg6[%get3A_151] {strides = array<i32>} : memref<128xf32, #tpu.memory_space<vmem>>, vector<16xf32>,
    %get3A_153 = vector.shape_cast %get3A_152 : vector<16xf32> to vector<16xf32>
    %add3A_154 = arith.addf %add3A_150, %get3A_153 : vector<16xf32>
    %get3A_155 = arith.constant 96 : index
    %get3A_156 = tpu.vector_load %arg6[%get3A_155] {strides = array<i32>} : memref<128xf32, #tpu.memory_space<vmem>>, vector<16xf32>,
    %get3A_157 = vector.shape_cast %get3A_156 : vector<16xf32> to vector<16xf32>
    %add3A_158 = arith.addf %add3A_154, %get3A_157 : vector<16xf32>
    %get3A_159 = arith.constant 112 : index
    %get3A_160 = tpu.vector_load %arg6[%get3A_159] {strides = array<i32>} : memref<128xf32, #tpu.memory_space<vmem>>, vector<16xf32>,
    %get3A_161 = vector.shape_cast %get3A_160 : vector<16xf32> to vector<16xf32>
    %add3A_162 = arith.addf %add3A_158, %get3A_161 : vector<16xf32>
    %swap3A_163 = arith.constant 0 : index
    %swap3A_164 = tpu.vector_load %arg7[%swap3A_163] {strides = array<i32>} : memref<16xf32, #tpu.memory_space<vmem>>, vector<16xf32>,
    %swap3A_165 = vector.shape_cast %swap3A_164 : vector<16xf32> to vector<16xf32>
    %swap3A_166 = vector.shape_cast %add3A_162 : vector<16xf32> to vector<16xf32>
    tpu.vector_store %arg7[%swap3A_163], %swap3A_166 {strides = array<i32>} : memref<16xf32, #tpu.memory_space<vmem>>, vector<16xf32>,
    "tpu.region"() ({
      %run_scoped3A = tpu.sem_alloc : memref<!tpu.dma_semaphore, #tpu.memory_space<semaphore_mem>>
      %dma_start3A_169 = arith.constant 0 : i32
      %dma_start3A_170 = tpu.memref_slice %arg9[%arg1, %dma_start3A_169] : memref<16x16xf32, #tpu.memory_space<vmem_shared>> -> memref<1x16xf32, #tpu.memory_space<vmem_shared>>
      %dma_start3A_171 = tpu.memref_squeeze %dma_start3A_170 : memref<1x16xf32, #tpu.memory_space<vmem_shared>> -> memref<16xf32, #tpu.memory_space<vmem_shared>>
      %dma_start3A_172 = arith.constant 0 : i32
      %dma_start3A_173 = tpu.memref_slice %arg9[%arg1, %dma_start3A_172] : memref<16x16xf32, #tpu.memory_space<vmem_shared>> -> memref<1x16xf32, #tpu.memory_space<vmem_shared>>
      %dma_start3A_174 = tpu.memref_squeeze %dma_start3A_173 : memref<1x16xf32, #tpu.memory_space<vmem_shared>> -> memref<16xf32, #tpu.memory_space<vmem_shared>>
      tpu.enqueue_dma source(%arg7 : memref<16xf32, #tpu.memory_space<vmem>>) target(%dma_start3A_174 : memref<16xf32, #tpu.memory_space<vmem_shared>>) target_semaphore(%run_scoped3A : memref<!tpu.dma_semaphore, #tpu.memory_space<semaphore_mem>>)
      %dma_wait3A_175 = arith.constant 0 : i32
      %dma_wait3A_176 = tpu.memref_slice %arg9[%arg1, %dma_wait3A_175] : memref<16x16xf32, #tpu.memory_space<vmem_shared>> -> memref<1x16xf32, #tpu.memory_space<vmem_shared>>
      %dma_wait3A_177 = tpu.memref_squeeze %dma_wait3A_176 : memref<1x16xf32, #tpu.memory_space<vmem_shared>> -> memref<16xf32, #tpu.memory_space<vmem_shared>>
      %dma_wait3A_178 = arith.constant 0 : i32
      %dma_wait3A_179 = tpu.memref_slice %arg9[%arg1, %dma_wait3A_178] : memref<16x16xf32, #tpu.memory_space<vmem_shared>> -> memref<1x16xf32, #tpu.memory_space<vmem_shared>>
      %dma_wait3A_180 = tpu.memref_squeeze %dma_wait3A_179 : memref<1x16xf32, #tpu.memory_space<vmem_shared>> -> memref<16xf32, #tpu.memory_space<vmem_shared>>
      tpu.wait_dma2 semaphore(%run_scoped3A : memref<!tpu.dma_semaphore, #tpu.memory_space<semaphore_mem>>) src(%arg7 : memref<16xf32, #tpu.memory_space<vmem>>) dst(%dma_wait3A_180 : memref<16xf32, #tpu.memory_space<vmem_shared>>)
      tpu.yield
    }) : () -> ()
    %barrier3A = arith.constant 0 : index
    tpu.barrier barrier_id(%barrier3A)
    %eq3A = arith.constant 0 : i32
    %eq3A_167 = arith.cmpi eq, %arg1, %eq3A : i32
    %convert_element_type3A = arith.extui %eq3A_167 : i1 to i32
    %cond3A = arith.constant 0 : i32
    %cond3A_168 = arith.cmpi ne, %convert_element_type3A, %cond3A : i32
    scf.if %cond3A_168 {
      "tpu.region"() ({
        %run_scoped3A = tpu.sem_alloc : memref<!tpu.dma_semaphore, #tpu.memory_space<semaphore_mem>>
        tpu.enqueue_dma source(%arg9 : memref<16x16xf32, #tpu.memory_space<vmem_shared>>) target(%arg8 : memref<16x16xf32, #tpu.memory_space<vmem>>) target_semaphore(%run_scoped3A : memref<!tpu.dma_semaphore, #tpu.memory_space<semaphore_mem>>)
        tpu.wait_dma2 semaphore(%run_scoped3A : memref<!tpu.dma_semaphore, #tpu.memory_space<semaphore_mem>>) src(%arg9 : memref<16x16xf32, #tpu.memory_space<vmem_shared>>) dst(%arg8 : memref<16x16xf32, #tpu.memory_space<vmem>>)
        tpu.yield
      }) : () -> ()
      %broadcast_in_dim3A_169 = arith.constant 0.000000e+00 : f32
      %broadcast_in_dim3A_170 = vector.broadcast %broadcast_in_dim3A_169 : f32 to vector<16xf32>
      %get3A_171 = arith.constant 0 : i32
      %get3A_172 = arith.index_cast %get3A_171 : i32 to index
      %get3A_173 = arith.constant 0 : index
      %get3A_174 = tpu.vector_load %arg8[%get3A_172, %get3A_173] {strides = array<i32>} : memref<16x16xf32, #tpu.memory_space<vmem>>, vector<1x16xf32>,
      %get3A_175 = vector.shape_cast %get3A_174 : vector<1x16xf32> to vector<16xf32>
      %add3A_176 = arith.addf %broadcast_in_dim3A_170, %get3A_175 : vector<16xf32>
      %get3A_177 = arith.constant 1 : i32
      %get3A_178 = arith.index_cast %get3A_177 : i32 to index
      %get3A_179 = arith.constant 0 : index
      %get3A_180 = tpu.vector_load %arg8[%get3A_178, %get3A_179] {strides = array<i32>} : memref<16x16xf32, #tpu.memory_space<vmem>>, vector<1x16xf32>,
      %get3A_181 = vector.shape_cast %get3A_180 : vector<1x16xf32> to vector<16xf32>
      %add3A_182 = arith.addf %add3A_176, %get3A_181 : vector<16xf32>
      %get3A_183 = arith.constant 2 : i32
      %get3A_184 = arith.index_cast %get3A_183 : i32 to index
      %get3A_185 = arith.constant 0 : index
      %get3A_186 = tpu.vector_load %arg8[%get3A_184, %get3A_185] {strides = array<i32>} : memref<16x16xf32, #tpu.memory_space<vmem>>, vector<1x16xf32>,
      %get3A_187 = vector.shape_cast %get3A_186 : vector<1x16xf32> to vector<16xf32>
      %add3A_188 = arith.addf %add3A_182, %get3A_187 : vector<16xf32>
      %get3A_189 = arith.constant 3 : i32
      %get3A_190 = arith.index_cast %get3A_189 : i32 to index
      %get3A_191 = arith.constant 0 : index
      %get3A_192 = tpu.vector_load %arg8[%get3A_190, %get3A_191] {strides = array<i32>} : memref<16x16xf32, #tpu.memory_space<vmem>>, vector<1x16xf32>,
      %get3A_193 = vector.shape_cast %get3A_192 : vector<1x16xf32> to vector<16xf32>
      %add3A_194 = arith.addf %add3A_188, %get3A_193 : vector<16xf32>
      %get3A_195 = arith.constant 4 : i32
      %get3A_196 = arith.index_cast %get3A_195 : i32 to index
      %get3A_197 = arith.constant 0 : index
      %get3A_198 = tpu.vector_load %arg8[%get3A_196, %get3A_197] {strides = array<i32>} : memref<16x16xf32, #tpu.memory_space<vmem>>, vector<1x16xf32>,
      %get3A_199 = vector.shape_cast %get3A_198 : vector<1x16xf32> to vector<16xf32>
      %add3A_200 = arith.addf %add3A_194, %get3A_199 : vector<16xf32>
      %get3A_201 = arith.constant 5 : i32
      %get3A_202 = arith.index_cast %get3A_201 : i32 to index
      %get3A_203 = arith.constant 0 : index
      %get3A_204 = tpu.vector_load %arg8[%get3A_202, %get3A_203] {strides = array<i32>} : memref<16x16xf32, #tpu.memory_space<vmem>>, vector<1x16xf32>,
      %get3A_205 = vector.shape_cast %get3A_204 : vector<1x16xf32> to vector<16xf32>
      %add3A_206 = arith.addf %add3A_200, %get3A_205 : vector<16xf32>
      %get3A_207 = arith.constant 6 : i32
      %get3A_208 = arith.index_cast %get3A_207 : i32 to index
      %get3A_209 = arith.constant 0 : index
      %get3A_210 = tpu.vector_load %arg8[%get3A_208, %get3A_209] {strides = array<i32>} : memref<16x16xf32, #tpu.memory_space<vmem>>, vector<1x16xf32>,
      %get3A_211 = vector.shape_cast %get3A_210 : vector<1x16xf32> to vector<16xf32>
      %add3A_212 = arith.addf %add3A_206, %get3A_211 : vector<16xf32>
      %get3A_213 = arith.constant 7 : i32
      %get3A_214 = arith.index_cast %get3A_213 : i32 to index
      %get3A_215 = arith.constant 0 : index
      %get3A_216 = tpu.vector_load %arg8[%get3A_214, %get3A_215] {strides = array<i32>} : memref<16x16xf32, #tpu.memory_space<vmem>>, vector<1x16xf32>,
      %get3A_217 = vector.shape_cast %get3A_216 : vector<1x16xf32> to vector<16xf32>
      %add3A_218 = arith.addf %add3A_212, %get3A_217 : vector<16xf32>
      %get3A_219 = arith.constant 8 : i32
      %get3A_220 = arith.index_cast %get3A_219 : i32 to index
      %get3A_221 = arith.constant 0 : index
      %get3A_222 = tpu.vector_load %arg8[%get3A_220, %get3A_221] {strides = array<i32>} : memref<16x16xf32, #tpu.memory_space<vmem>>, vector<1x16xf32>,
      %get3A_223 = vector.shape_cast %get3A_222 : vector<1x16xf32> to vector<16xf32>
      %add3A_224 = arith.addf %add3A_218, %get3A_223 : vector<16xf32>
      %get3A_225 = arith.constant 9 : i32
      %get3A_226 = arith.index_cast %get3A_225 : i32 to index
      %get3A_227 = arith.constant 0 : index
      %get3A_228 = tpu.vector_load %arg8[%get3A_226, %get3A_227] {strides = array<i32>} : memref<16x16xf32, #tpu.memory_space<vmem>>, vector<1x16xf32>,
      %get3A_229 = vector.shape_cast %get3A_228 : vector<1x16xf32> to vector<16xf32>
      %add3A_230 = arith.addf %add3A_224, %get3A_229 : vector<16xf32>
      %get3A_231 = arith.constant 10 : i32
      %get3A_232 = arith.index_cast %get3A_231 : i32 to index
      %get3A_233 = arith.constant 0 : index
      %get3A_234 = tpu.vector_load %arg8[%get3A_232, %get3A_233] {strides = array<i32>} : memref<16x16xf32, #tpu.memory_space<vmem>>, vector<1x16xf32>,
      %get3A_235 = vector.shape_cast %get3A_234 : vector<1x16xf32> to vector<16xf32>
      %add3A_236 = arith.addf %add3A_230, %get3A_235 : vector<16xf32>
      %get3A_237 = arith.constant 11 : i32
      %get3A_238 = arith.index_cast %get3A_237 : i32 to index
      %get3A_239 = arith.constant 0 : index
      %get3A_240 = tpu.vector_load %arg8[%get3A_238, %get3A_239] {strides = array<i32>} : memref<16x16xf32, #tpu.memory_space<vmem>>, vector<1x16xf32>,
      %get3A_241 = vector.shape_cast %get3A_240 : vector<1x16xf32> to vector<16xf32>
      %add3A_242 = arith.addf %add3A_236, %get3A_241 : vector<16xf32>
      %get3A_243 = arith.constant 12 : i32
      %get3A_244 = arith.index_cast %get3A_243 : i32 to index
      %get3A_245 = arith.constant 0 : index
      %get3A_246 = tpu.vector_load %arg8[%get3A_244, %get3A_245] {strides = array<i32>} : memref<16x16xf32, #tpu.memory_space<vmem>>, vector<1x16xf32>,
      %get3A_247 = vector.shape_cast %get3A_246 : vector<1x16xf32> to vector<16xf32>
      %add3A_248 = arith.addf %add3A_242, %get3A_247 : vector<16xf32>
      %get3A_249 = arith.constant 13 : i32
      %get3A_250 = arith.index_cast %get3A_249 : i32 to index
      %get3A_251 = arith.constant 0 : index
      %get3A_252 = tpu.vector_load %arg8[%get3A_250, %get3A_251] {strides = array<i32>} : memref<16x16xf32, #tpu.memory_space<vmem>>, vector<1x16xf32>,
      %get3A_253 = vector.shape_cast %get3A_252 : vector<1x16xf32> to vector<16xf32>
      %add3A_254 = arith.addf %add3A_248, %get3A_253 : vector<16xf32>
      %get3A_255 = arith.constant 14 : i32
      %get3A_256 = arith.index_cast %get3A_255 : i32 to index
      %get3A_257 = arith.constant 0 : index
      %get3A_258 = tpu.vector_load %arg8[%get3A_256, %get3A_257] {strides = array<i32>} : memref<16x16xf32, #tpu.memory_space<vmem>>, vector<1x16xf32>,
      %get3A_259 = vector.shape_cast %get3A_258 : vector<1x16xf32> to vector<16xf32>
      %add3A_260 = arith.addf %add3A_254, %get3A_259 : vector<16xf32>
      %get3A_261 = arith.constant 15 : i32
      %get3A_262 = arith.index_cast %get3A_261 : i32 to index
      %get3A_263 = arith.constant 0 : index
      %get3A_264 = tpu.vector_load %arg8[%get3A_262, %get3A_263] {strides = array<i32>} : memref<16x16xf32, #tpu.memory_space<vmem>>, vector<1x16xf32>,
      %get3A_265 = vector.shape_cast %get3A_264 : vector<1x16xf32> to vector<16xf32>
      %add3A_266 = arith.addf %add3A_260, %get3A_265 : vector<16xf32>
      %swap3A_267 = arith.constant 0 : index
      %swap3A_268 = tpu.vector_load %arg7[%swap3A_267] {strides = array<i32>} : memref<16xf32, #tpu.memory_space<vmem>>, vector<16xf32>,
      %swap3A_269 = vector.shape_cast %swap3A_268 : vector<16xf32> to vector<16xf32>
      %swap3A_270 = vector.shape_cast %add3A_266 : vector<16xf32> to vector<16xf32>
      tpu.vector_store %arg7[%swap3A_267], %swap3A_270 {strides = array<i32>} : memref<16xf32, #tpu.memory_space<vmem>>, vector<16xf32>,
      "tpu.region"() ({
        %run_scoped3A = tpu.sem_alloc : memref<!tpu.dma_semaphore, #tpu.memory_space<semaphore_mem>>
        %dma_start3A_271 = arith.constant 0 : i32
        %dma_start3A_272 = tpu.memref_slice %arg4[%arg0, %dma_start3A_271] : memref<2x16xf32, #tpu.memory_space<hbm>> -> memref<1x16xf32, #tpu.memory_space<hbm>>
        %dma_start3A_273 = tpu.memref_squeeze %dma_start3A_272 : memref<1x16xf32, #tpu.memory_space<hbm>> -> memref<16xf32, #tpu.memory_space<hbm>>
        %dma_start3A_274 = arith.constant 0 : i32
        %dma_start3A_275 = tpu.memref_slice %arg4[%arg0, %dma_start3A_274] : memref<2x16xf32, #tpu.memory_space<hbm>> -> memref<1x16xf32, #tpu.memory_space<hbm>>
        %dma_start3A_276 = tpu.memref_squeeze %dma_start3A_275 : memref<1x16xf32, #tpu.memory_space<hbm>> -> memref<16xf32, #tpu.memory_space<hbm>>
        tpu.enqueue_dma source(%arg7 : memref<16xf32, #tpu.memory_space<vmem>>) target(%dma_start3A_276 : memref<16xf32, #tpu.memory_space<hbm>>) target_semaphore(%run_scoped3A : memref<!tpu.dma_semaphore, #tpu.memory_space<semaphore_mem>>)
        %dma_wait3A_277 = arith.constant 0 : i32
        %dma_wait3A_278 = tpu.memref_slice %arg4[%arg0, %dma_wait3A_277] : memref<2x16xf32, #tpu.memory_space<hbm>> -> memref<1x16xf32, #tpu.memory_space<hbm>>
        %dma_wait3A_279 = tpu.memref_squeeze %dma_wait3A_278 : memref<1x16xf32, #tpu.memory_space<hbm>> -> memref<16xf32, #tpu.memory_space<hbm>>
        %dma_wait3A_280 = arith.constant 0 : i32
        %dma_wait3A_281 = tpu.memref_slice %arg4[%arg0, %dma_wait3A_280] : memref<2x16xf32, #tpu.memory_space<hbm>> -> memref<1x16xf32, #tpu.memory_space<hbm>>
        %dma_wait3A_282 = tpu.memref_squeeze %dma_wait3A_281 : memref<1x16xf32, #tpu.memory_space<hbm>> -> memref<16xf32, #tpu.memory_space<hbm>>
        tpu.wait_dma2 semaphore(%run_scoped3A : memref<!tpu.dma_semaphore, #tpu.memory_space<semaphore_mem>>) src(%arg7 : memref<16xf32, #tpu.memory_space<vmem>>) dst(%dma_wait3A_282 : memref<16xf32, #tpu.memory_space<hbm>>)
        tpu.yield
      }) : () -> ()
    } else {
    }
    return
  }
}

</mosaic_0001>

<sc_bundles>
// kernel: kernel.3.cloned.1.call-start
scs
__scs_entry_jumppad:
0x0: {  	(pc) =	sbr.rel $0x88, $3  }
0x1: {  	(tag) =	ssettag $0x0;
	lr =	simm.s32 $0x1  }
0x2: {  	[smem:$0x3F9F] =	sst lr;
	_ =	strace $0xD0000000  }
0x3: {  	_ = 	snop  }
0x4: {  	_ = 	snop  }
0x5: {  	_ = 	snop  }
0x6: {  	_ = 	snop  }
0x7: {  	_ = 	snop  }
__scs_overlays_trampoline_lowered:
0x8: {  	[smem:$0x3FAE] =	sst s0  }
0x9: {  	[smem:$0x3FAF] =	sst s1  }
0xa: {  	[smem:$0x3FB0] =	sst s2  }
0xb: {  	[smem:$0x3FB1] =	sst s3  }
0xc: {  	[smem:$0x3FB2] =	sst s4  }
0xd: {  	[smem:$0x3FB3] =	sst s5  }
0xe: {  	[smem:$0x3FB4] =	sst s6  }
0xf: {  	[smem:$0x3FB5] =	sst s7  }
0x10: {  	[smem:$0x3FB6] =	sst s8  }
0x11: {  	[smem:$0x3FB7] =	sst s9;
	s0 =	simm.s32 @!p0 $0x0  }
0x12: {  	s1 =	sld [smem:$0x3F9D];
	s0 =	simm.s32 @p0 $0x1  }
0x13: {  	[smem:$0x3FB8] =	sst s0;
	s0 =	simm.s32 @!p1 $0x0  }
0x14: {  	s2 =	sld [smem:$0x3F9C];
	s0 =	simm.s32 @p1 $0x1  }
0x15: {  	[smem:$0x3FB9] =	sst s0;
	s0 =	simm.s32 @!p2 $0x0  }
0x16: {  	s3 =	sld [smem:$0x3FDB];
	s0 =	simm.s32 @p2 $0x1  }
0x17: {  	s4 =	simm.s32 $0x1BF5;
	[smem:$0x3FBB] =	sst s0  }
0x18: {  	s0 =	sld [smem:$0x3F9E];
	_ =	swait.ge [sflag:s4], $0x0  }
0x19: {  	s7 =	sld [smem:$0x3F9F]  }
0x1a: {  	s8 =	sadd.s32 $0xFFFFE003, lr  }
0x1b: {  	s9 =	sadd.s32 $0xFFFFFEF7, lr;
	s5 =	simm.s32 $0xFFFFFFFF;
	p2 =	slt.u32 s8, $0xFFFFF086  }
0x1c: {  	p1 =	slt.u32 s9, $0xF7A;
	s5 =	simm.s32 @!p2 $0x0  }
0x1d: {  	s5 =	simm.s32 @p1 $0x1;
	p0 =	seq.s32 s7, s2  }
0x1e: {  	s7 =	smul.u32 @!p0 $0xF7A, s2;
	p2 =	seq.s32 @!p0 s5, $0x0  }
0x1f: {  	s9 =	smul.u32 $0xF7A, s1;
	s8 =	simm.s32 @!p0 $0x1BF5;
	p2 =	por !p2, p0  }
0x20: {  	[sflag:s8] =	ssyncset.s32 @!p0 $0xFFFFF086;
	s6 =	sadd.s32 @!p0 s3, s7;
	s7 =	simm.s32 @!p0 $0x108  }
0x21: {  	s3 =	sadd.s32 s3, s9;
	s6 =	sadd.s32 @!p0 $0x88, s6;
	s7 =	simm.s32 @p2 $0x1082  }
0x22: {  	[simem:s7], [sflag:s8] =	dma.local @!p0 [hbm:s6], $0xF7A  }
0x23: {  	s9 =	sor.u32 $0xD0000000, s2;
	s6 =	simm.s32 $0x108;
	_ =	swait.ge @!p0 [sflag:s8], $0x0  }
0x24: {  	s3 =	sadd.s32 $0x88, s3;
	s6 =	simm.s32 @!p1 $0x1082;
	[sflag:s4] =	ssyncset.s32 $0xFFFFF086  }
0x25: {  	[simem:s6], [sflag:s4] =	dma.local [hbm:s3], $0xF7A  }
0x26: {  	[smem:$0x3F9F] =	sst s1;
	(tag) =	ssettag s2;
	_ =	strace s9  }
0x27: {  	s1 =	sld [smem:$0x3FAF]  }
0x28: {  	s2 =	sld [smem:$0x3FB0]  }
0x29: {  	s4 =	sld [smem:$0x3FB2]  }
0x2a: {  	p0 =	seq.s32 s5, $0x0;
	s5 =	sld [smem:$0x3FB3]  }
0x2b: {  	s6 =	sld [smem:$0x3FB4]  }
0x2c: {  	s7 =	sld [smem:$0x3FB5]  }
0x2d: {  	s3 =	simm.s32 $0x108;
	s8 =	sld [smem:$0x3FB6]  }
0x2e: {  	s3 =	simm.s32 @!p0 $0x1082;
	s9 =	sld [smem:$0x3FB7]  }
0x2f: {  	lr =	sadd.s32 s0, s3;
	s0 =	sld [smem:$0x3FAE]  }
0x30: {  	s3 =	sld [smem:$0x3FB1]  }
0x31: {  	[smem:$0x3FBA] =	sst s10  }
0x32: {  	s10 =	sld [smem:$0x3FB8];
	_ =	sdelay $0x3  }
0x33: {  	p0 =	seq.s32 s10, $0x1;
	s10 =	sld [smem:$0x3FBA];
	_ =	sdelay $0x3  }
0x34: {  	[smem:$0x3FBA] =	sst s10  }
0x35: {  	s10 =	sld [smem:$0x3FB9];
	_ =	sdelay $0x3  }
0x36: {  	p1 =	seq.s32 s10, $0x1;
	s10 =	sld [smem:$0x3FBA];
	_ =	sdelay $0x3  }
0x37: {  	[smem:$0x3FBA] =	sst s10  }
0x38: {  	s10 =	sld [smem:$0x3FBB]  }
0x39: {  	_ = 	snop;
	(pc) =	sbr.ind lr, $3  }
0x3a: {  	_ = 	snop  }
0x3b: {  	_ = 	snop  }
0x3c: {  	p2 =	seq.s32 s10, $0x1;
	s10 =	sld [smem:$0x3FBA]  }
0x3d: {  	_ =	shalt  }
0x3e: {  	_ =	shalt  }
0x3f: {  	_ =	shalt  }
0x40: {  	_ =	shalt  }
0x41: {  	_ =	shalt  }
0x42: {  	_ =	shalt  }
0x43: {  	_ =	shalt  }
0x44: {  	_ =	shalt  }
0x45: {  	_ =	shalt  }
0x46: {  	_ =	shalt  }
0x47: {  	_ =	shalt  }
0x48: {  	_ =	shalt  }
0x49: {  	_ =	shalt  }
0x4a: {  	_ =	shalt  }
0x4b: {  	_ =	shalt  }
0x4c: {  	_ =	shalt  }
0x4d: {  	_ =	shalt  }
0x4e: {  	_ =	shalt  }
0x4f: {  	_ =	shalt  }
0x50: {  	_ =	shalt  }
0x51: {  	_ =	shalt  }
0x52: {  	_ =	shalt  }
0x53: {  	_ =	shalt  }
0x54: {  	_ =	shalt  }
0x55: {  	_ =	shalt  }
0x56: {  	_ =	shalt  }
0x57: {  	_ =	shalt  }
0x58: {  	_ =	shalt  }
0x59: {  	_ =	shalt  }
0x5a: {  	_ =	shalt  }
0x5b: {  	_ =	shalt  }
0x5c: {  	_ =	shalt  }
0x5d: {  	_ =	shalt  }
0x5e: {  	_ =	shalt  }
0x5f: {  	_ =	shalt  }
0x60: {  	_ =	shalt  }
0x61: {  	_ =	shalt  }
0x62: {  	_ =	shalt  }
0x63: {  	_ =	shalt  }
0x64: {  	_ =	shalt  }
0x65: {  	_ =	shalt  }
0x66: {  	_ =	shalt  }
0x67: {  	_ =	shalt  }
0x68: {  	_ =	shalt  }
0x69: {  	_ =	shalt  }
0x6a: {  	_ =	shalt  }
0x6b: {  	_ =	shalt  }
0x6c: {  	_ =	shalt  }
0x6d: {  	_ =	shalt  }
0x6e: {  	_ =	shalt  }
0x6f: {  	_ =	shalt  }
0x70: {  	_ =	shalt  }
0x71: {  	_ =	shalt  }
0x72: {  	_ =	shalt  }
0x73: {  	_ =	shalt  }
0x74: {  	_ =	shalt  }
0x75: {  	_ =	shalt  }
0x76: {  	_ =	shalt  }
0x77: {  	_ =	shalt  }
0x78: {  	_ =	shalt  }
0x79: {  	_ =	shalt  }
0x7a: {  	_ =	shalt  }
0x7b: {  	_ =	shalt  }
0x7c: {  	_ =	shalt  }
0x7d: {  	_ =	shalt  }
0x7e: {  	_ =	shalt  }
0x7f: {  	_ =	shalt  }
0x80: {  	_ =	shalt  }
0x81: {  	_ =	shalt  }
0x82: {  	_ =	shalt  }
0x83: {  	_ =	shalt  }
0x84: {  	_ =	shalt  }
0x85: {  	_ =	shalt  }
0x86: {  	_ =	shalt  }
0x87: {  	_ =	shalt  }
.Lfunc_end0:
.L_simem_size_0:
called_computation_lowered:
.L_overlay_start_0:
0x88: {  	s2 =	sld [smem:$0x3FD9]  }
0x89: {  	s3 =	sld [smem:$0x3FFE];
	_ =	sdelay $0x1  }
0x8a: {  	s1 =	srdreg.scid  }
0x8b: {  	s0 =	sand.u32 $0x1, s1  }
0x8c: {  	s16 =	sshll.u32 s0, $0xA;
	s2 =	sadd.s32 s3, s2  }
0x8d: {  	s2 =	sadd.s32 s2, s16  }
0x8e: {  	[smem:$0x3FC6] =	sst s2  }
0x8f: {  	_ = 	snop  }
0x90: {  	(tm) =	ssettm $0x1  }
0x91: {  	s17 =	sld [smem:$0x3FFB];
	_ =	sdelay $0x3  }
0x92: {  	_ =	strace s17  }
0x93: {  	s2 =	sld [smem:$0x3FFC];
	_ =	sdelay $0x3  }
0x94: {  	_ =	strace s2  }
0x95: {  	s2 =	sld [smem:$0x3FFD];
	_ =	sdelay $0x3  }
0x96: {  	_ =	strace s2  }
0x97: {  	_ =	strace $0x8FFFFFFF  }
0x98: {  	s18 =	sld [smem:$0x3FDB];
	_ =	sdelay $0x1  }
0x99: {  	s19 =	simm.s32 $_scs_section_size  }
0x9a: {  	s4 =	simm.s32 $_size__tile_overlayer_lowered;
	s5 =	simm.s32 $_tile_overlayer_lowered  }
0x9b: {  	s22 =	simm.s32 $0x1BFF;
	s21 =	sshll.u32 s5, $0x1;
	s2 =	sadd.s32 s19, s18  }
0x9c: {  	s6 =	simm.s32 $0x0;
	s20 =	sshll.u32 s4, $0x1;
	s4 =	sadd.s32 s21, s2  }
0x9d: {  	[timem:s6], [sflag:s22] =	dma.local [hbm:s4], s20  }
0x9e: {  	_ =	swait.ge [sflag:s22], s20  }
0x9f: {  	s3 =	ssub.s32 $0x0, s20;
	[sflag:s22] =	ssyncset.done $0x0  }
0xa0: {  	[sflag:s22] =	ssyncadd.s32 s3;
	_ =	sdelay $0x1  }
0xa1: {  	s23 =	simm.s32 $0x1B8B  }
0xa2: {  	_ =	swait.ge [sflag:s23], $0x1  }
0xa3: {  	[sflag:s23] =	ssyncset.done $0x0  }
0xa4: {  	s25 =	simm.s32 $0x1B8E;
	s24 =	sld [smem:$0x3FFE];
	[sflag:s23] =	ssyncadd.s32 $0xFFFFFFFF  }
0xa5: {  	s26 =	simm.s32 $execute0_lowered;
	[smem:$0x3FD2] =	sst s25  }
0xa6: {  	s4 =	sshll.u32 s26, $0x1;
	_ =	strace $0x80000046;
	[dreg:$0x1] =	wrdreg $0xFFFFFFFF  }
0xa7: {  	s28 =	simm.s32 $_size_execute0_lowered;
	s2 =	sadd.s32 s2, s4;
	[dreg:$0x0] =	wrdreg $0x0  }
0xa8: {  	s4 =	sshll.u32 s28, $0x1;
	[dreg:$0x2] =	wrdreg s2  }
0xa9: {  	[dreg:$0x3] =	wrdreg s4  }
0xaa: {  	[dreg:$0x4] =	wrdreg $0xC0  }
0xab: {  	_ =	task [dreg:s6], $0x5FFFF  }
0xac: {  	[dreg:$0x1] =	wrdreg $0xFFFFFFFF  }
0xad: {  	[dreg:$0x0] =	wrdreg $0x60  }
0xae: {  	[dreg:$0x2] =	wrdreg s24  }
0xaf: {  	[dreg:$0x3] =	wrdreg $0x9800  }
0xb0: {  	[dreg:$0x4] =	wrdreg $0x9  }
0xb1: {  	_ =	task.clear_ibuf [dreg:s6], $0x5FFFF;
	_ =	strace $0x90000046  }
0xb2: {  	s29 =	simm.s32 $0x9;
	_ =	strace $0x80000048  }
0xb3: {  	_ =	swait.ge [sflag:s29], $0x1  }
0xb4: {  	[sflag:s29] =	ssyncadd.s32 $0xFFFFFFFF  }
0xb5: {  	_ =	strace $0x90000048  }
0xb6: {  	_ =	sfence  }
0xb7: {  	s30 =	sld [smem:$0x0];
	_ =	sdelay $0x2  }
0xb8: {  	s31 =	sshll.u32 s1, $0xD;
	s1 =	sshrl.u32 s1, $0x2  }
0xb9: {  	s3 =	sand.u32 $0x4000, s31;
	s1 =	sadd.s32 s1, s30  }
0xba: {  	s0 =	sor.u32 s3, s0;
	s1 =	sshll.u32 s1, $0x11  }
0xbb: {  	s0 =	sor.u32 s1, s0  }
0xbc: {  	s0 =	sadd.s32 $0x8F2B, s0  }
0xbd: {  	[sflag:s0] =	ssyncadd.remote.s32 $0x1  }
0xbe: {  	_ =	sfence.sel $0xFFFF  }
0xbf: {  	[dreg:$0x0] =	wrdreg $0xFFFFFFFF;
	(pc) =	sbr.abs _section_cstart, $3  }
0xc0: {  	[dreg:$0x1] =	wrdreg $0xFFFFFFFF  }
0xc1: {  	_ =	task.clear_ibuf [dreg:s6], $0x2FFFF;
	_ =	strace $0x9FFFFFFF  }
0xc2: {  	(tm) =	ssettm $0x7FFFFFFF  }
0xc3: {  	_ =	shalt  }
tec
execute0_lowered:
.L_overlay_start_1:
0x0: {  	(tag) =	ssettag $0x1  }
0x1: {  	s0 =	srdreg.scid  }
0x2: {  	s12 =	rddreg [dreg:$0x0];
	s8 =	stileid.u32;
	s13 =	sand.u32 $0x1, s0  }
0x3: {  	s1 =	rddreg [dreg:$0x1];
	s3 =	sshll.u32 s8, $0x8;
	s4 =	sshll.u32 s13, $0x7  }
0x4: {  	s2 =	simm.s32 $0x0;
	s0 =	rddreg [dreg:$0x2];
	s5 =	sor.u32 s4, s3  }
0x5: {  	[smem:$0x7FF] =	sst s2;
	s3 =	sshrl.u32 s5, $0x3  }
0x6: {  	_ =	strace $0x80000047;
	s4 =	simm.s32 $0x2;
	s3 =	sadd.s32 s12, s3  }
0x7: {  	[tilespmem:s2], [sflag:$0x2] =	stream.linear.gather [hbm4b:s3+s2], $0x80, $0x38;
	[tilespmem:$0x990] =	vst v63  }
0x8: {  	v0 =	vmov s5;
	s6 =	sor.u32 $0x30, s5;
	_ =	swait.ge [sflag:s4], $0x80  }
0x9: {  	s26 =	sor.u32 $0x70, s5;
	v5 =	vmul.u32 $0x7D00, v0;
	v0 =	vlaneseq.u32;
	v1 =	vmov s6;
	[sflag:s4] =	ssyncset.done $0x0  }
0xa: {  	s7 =	sor.u32 $0x10, s5;
	s9 =	sor.u32 $0x20, s5;
	v7 =	vmul.u32 $0x7D00, v0;
	v0 =	vmul.u32 $0x7D00, v1;
	v1 =	vmov s26;
	[sflag:s4] =	ssyncadd.s32 $0xFFFFFF80  }
0xb: {  	s28 =	sor.u32 $0x50, s5;
	s29 =	sor.u32 $0x60, s5;
	s5 =	sor.u32 $0x40, s5;
	v2 =	vmov s7;
	v3 =	vmov s9;
	v1 =	vmul.u32 $0x7D00, v1;
	v4 =	vld [tilespmem:$0x70]  }
0xc: {  	v6 =	vmov s28;
	v9 =	vmov s29;
	v13 =	vmov s5;
	v8 =	vld [tilespmem:$0x30]  }
0xd: {  	v3 =	vmul.u32 $0x7D00, v3;
	v6 =	vmul.u32 $0x7D00, v6;
	v1 =	vbroadcast v1, $0x0;
	v10 =	vld [tilespmem:$0x50]  }
0xe: {  	v11 =	vmul.u32 $0x7D00, v2;
	v2 =	vmul.u32 $0x7D00, v9;
	v0 =	vbroadcast v0, $0x0;
	v9 =	vld [tilespmem:$0x60]  }
0xf: {  	v12 =	vbroadcast v3, $0x0;
	v3 =	vbroadcast v6, $0x0;
	v6 =	vld [tilespmem:$0x20];
	v1 =	vadd.s32 v7, v1  }
0x10: {  	v14 =	vbroadcast v2, $0x0;
	v0 =	vadd.s32 v7, v0;
	v15 =	vld [tilespmem:$0x10];
	v4 =	vadd.s32 v4, v1  }
0x11: {  	v13 =	vmul.u32 $0x7D00, v13;
	v2 =	vadd.s32 v7, v3;
	v16 =	vld [tilespmem:$0x40];
	v8 =	vadd.s32 v8, v0;
	[tilespmem:$0x70] =	vst v4  }
0x12: {  	v11 =	vbroadcast v11, $0x0;
	v3 =	vadd.s32 v7, v14;
	v10 =	vadd.s32 v10, v2;
	[tilespmem:$0x30] =	vst v8;
	v8 =	vld [tilespmem:$0x0]  }
0x13: {  	v63 =	vbroadcast v13, $0x0;
	v9 =	vadd.s32 v9, v3;
	v4 =	vadd.s32 v7, v12;
	[tilespmem:$0x50] =	vst v10  }
0x14: {  	v10 =	vbroadcast v5, $0x0;
	v5 =	vadd.s32 v7, v11;
	[tilespmem:$0x60] =	vst v9;
	v11 =	vadd.s32 v6, v4  }
0x15: {  	v6 =	vadd.s32 v7, v63;
	v9 =	vadd.s32 v15, v5;
	[tilespmem:$0x20] =	vst v11  }
0x16: {  	v7 =	vadd.s32 v7, v10;
	[tilespmem:$0x10] =	vst v9;
	v9 =	vadd.s32 v16, v6  }
0x17: {  	[tilespmem:$0x40] =	vst v9;
	v8 =	vadd.s32 v8, v7  }
0x18: {  	s5 =	sadd.s32 $0x200, s12;
	s6 =	simm.s32 $0x80;
	s7 =	simm.s32 $0x1;
	[tilespmem:$0x0] =	vst v8  }
0x19: {  	[tilespmem:s6], [sflag:$0x1] =	stream.indirect.gather [hbm4b:s5+s6], $0x1, s2, s6, $0xb8;
	[tilespmem:$0x990] =	vst v63  }
0x1a: {  	_ =	swait.ge [sflag:s7], $0x80  }
0x1b: {  	[sflag:s7] =	ssyncset.done $0x0  }
0x1c: {  	[sflag:s7] =	ssyncadd.s32 $0xFFFFFF80  }
0x1d: {  	v8 =	vld [tilespmem:$0x80];
	_ =	sdelay $0x1  }
0x1e: {  	v9 =	vld [tilespmem:$0x90];
	_ =	sdelay $0x1  }
0x1f: {  	v10 =	vld [tilespmem:$0xA0]  }
0x20: {  	v8 =	vadd.f32 $0.0e+00, v8  }
0x21: {  	v11 =	vld [tilespmem:$0xB0]  }
0x22: {  	v8 =	vadd.f32 v9, v8  }
0x23: {  	v9 =	vld [tilespmem:$0xC0]  }
0x24: {  	v8 =	vadd.f32 v10, v8  }
0x25: {  	v10 =	vld [tilespmem:$0xD0]  }
0x26: {  	v8 =	vadd.f32 v11, v8  }
0x27: {  	v11 =	vld [tilespmem:$0xE0]  }
0x28: {  	v8 =	vadd.f32 v9, v8  }
0x29: {  	v9 =	vld [tilespmem:$0xF0]  }
0x2a: {  	v8 =	vadd.f32 v10, v8;
	_ =	sdelay $0x1  }
0x2b: {  	v8 =	vadd.f32 v11, v8;
	_ =	sdelay $0x1  }
0x2c: {  	v8 =	vadd.f32 v9, v8  }
0x2d: {  	s30 =	sshll.u32 s8, $0x7  }
0x2e: {  	s10 =	simm.s32 $0x100;
	s9 =	sadd.s32 s30, s1;
	[tilespmem:$0x100] =	vst v8  }
0x2f: {  	[spmem:s9] =	stream.linear.scatter [tilespmem:s10], [sflag:$0x2], $0x80, $0x38;
	[tilespmem:$0x990] =	vst v63  }
0x30: {  	_ =	swait.ge [sflag:s4], $0x80  }
0x31: {  	[sflag:s4] =	ssyncset.done $0x0  }
0x32: {  	p0 =	sne.s32 s8, $0x0;
	[sflag:s4] =	ssyncadd.s32 $0xFFFFFF80  }
0x33: {  	s11 =	simm.s32 @!p0 $0x180;
	s8 =	simm.s32 @!p0 $0x2;
	[bflag:$0x0] =	sbarrier.arrive $0xFFFF  }
0x34: {  	[tilespmem:s11], [sflag:$0x2] =	stream.linear.gather @!p0 [spmem:s1], $0x800, $0x38;
	[tilespmem:$0x990] =	vst v63  }
0x35: {  	_ =	swait.ge @!p0 [sflag:s8], $0x800  }
0x36: {  	[sflag:s8] =	ssyncset.done @!p0 $0x0  }
0x37: {  	[sflag:s8] =	ssyncadd.s32 @!p0 $0xFFFFF800  }
0x38: {  	v8 =	vld @!p0 [tilespmem:$0x180];
	_ =	sdelay $0x1  }
0x39: {  	v9 =	vld @!p0 [tilespmem:$0x200];
	_ =	sdelay $0x1  }
0x3a: {  	v10 =	vld @!p0 [tilespmem:$0x280]  }
0x3b: {  	v8 =	vadd.f32 @!p0 $0.0e+00, v8  }
0x3c: {  	v11 =	vld @!p0 [tilespmem:$0x300]  }
0x3d: {  	v8 =	vadd.f32 @!p0 v9, v8  }
0x3e: {  	v9 =	vld @!p0 [tilespmem:$0x380]  }
0x3f: {  	v8 =	vadd.f32 @!p0 v10, v8  }
0x40: {  	v10 =	vld @!p0 [tilespmem:$0x400]  }
0x41: {  	v8 =	vadd.f32 @!p0 v11, v8  }
0x42: {  	v11 =	vld @!p0 [tilespmem:$0x480]  }
0x43: {  	v8 =	vadd.f32 @!p0 v9, v8  }
0x44: {  	v9 =	vld @!p0 [tilespmem:$0x500]  }
0x45: {  	v8 =	vadd.f32 @!p0 v10, v8  }
0x46: {  	v10 =	vld @!p0 [tilespmem:$0x580]  }
0x47: {  	v8 =	vadd.f32 @!p0 v11, v8  }
0x48: {  	v11 =	vld @!p0 [tilespmem:$0x600]  }
0x49: {  	v8 =	vadd.f32 @!p0 v9, v8  }
0x4a: {  	v9 =	vld @!p0 [tilespmem:$0x680]  }
0x4b: {  	v8 =	vadd.f32 @!p0 v10, v8  }
0x4c: {  	v10 =	vld @!p0 [tilespmem:$0x700]  }
0x4d: {  	v8 =	vadd.f32 @!p0 v11, v8  }
0x4e: {  	s14 =	ssub.s32 $0x2, s13;
	v11 =	vld @!p0 [tilespmem:$0x780]  }
0x4f: {  	s15 =	sshrl.u32 s14, $0x1;
	v8 =	vadd.f32 @!p0 v9, v8  }
0x50: {  	s14 =	ssub.s32 s14, s15;
	v9 =	vld @!p0 [tilespmem:$0x800]  }
0x51: {  	s14 =	smax.u32 s14, $0x1;
	v8 =	vadd.f32 @!p0 v10, v8  }
0x52: {  	s31 =	sshll.u32 s13, $0x4;
	s13 =	sadd.s32 $0xFFFFFFFF, s14  }
0x53: {  	p1 =	sne.s32 s13, $0x0;
	v10 =	vld @!p0 [tilespmem:$0x880];
	v8 =	vadd.f32 @!p0 v11, v8  }
.Ltmp0:
0x54: {  	_ = 	snop;
	(pc) =	sbr.rel @!p1 .LBB2_2-.Ltmp0, $3  }
0x55: {  	v9 =	vadd.f32 @!p0 v9, v8;
	v8 =	vld @!p0 [tilespmem:$0x900];
	_ =	sdelay $0x1  }
0x56: {  	s12 =	sadd.s32 s31, s12  }
0x57: {  	s12 =	sadd.s32 $0xFA0200, s12;
	v9 =	vadd.f32 @!p0 v10, v9  }
.LBB2_1:
0x58: {  	s13 =	sadd.s32 $0xFFFFFFFF, s13  }
0x59: {  	p1 =	sne.s32 s13, $0x0;
	v8 =	vadd.f32 @!p0 v8, v9;
	_ =	sdelay $0x1  }
0x5a: {  	s14 =	simm.s32 @!p0 $0x0;
	s15 =	simm.s32 @!p0 $0x100;
	[tilespmem:$0x100] =	vst @!p0 v8  }
0x5b: {  	[hbm4b:s12+s14] =	stream.linear.scatter @!p0 [tilespmem:s15], [sflag:$0x2], $0x80, $0x38;
	[tilespmem:$0x990] =	vst v63  }
0x5c: {  	_ =	swait.ge @!p0 [sflag:s8], $0x80  }
0x5d: {  	[sflag:s8] =	ssyncset.done @!p0 $0x0  }
0x5e: {  	[sflag:s8] =	ssyncadd.s32 @!p0 $0xFFFFFF80  }
0x5f: {  	[tilespmem:s2], [sflag:$0x2] =	stream.linear.gather [hbm4b:s3+s2], $0x80, $0x38;
	[tilespmem:$0x990] =	vst v63  }
0x60: {  	_ =	swait.ge [sflag:s4], $0x80  }
0x61: {  	[sflag:s4] =	ssyncset.done $0x0  }
0x62: {  	[sflag:s4] =	ssyncadd.s32 $0xFFFFFF80  }
0x63: {  	v8 =	vld [tilespmem:$0x70]  }
0x64: {  	v9 =	vld [tilespmem:$0x30]  }
0x65: {  	v10 =	vld [tilespmem:$0x50]  }
0x66: {  	v11 =	vld [tilespmem:$0x60]  }
0x67: {  	v12 =	vld [tilespmem:$0x20]  }
0x68: {  	v13 =	vld [tilespmem:$0x10];
	v8 =	vadd.s32 v8, v1  }
0x69: {  	v9 =	vadd.s32 v9, v0;
	v14 =	vld [tilespmem:$0x40];
	[tilespmem:$0x70] =	vst v8  }
0x6a: {  	v8 =	vld [tilespmem:$0x0];
	[tilespmem:$0x30] =	vst v9;
	v9 =	vadd.s32 v10, v2  }
0x6b: {  	[tilespmem:$0x50] =	vst v9;
	v9 =	vadd.s32 v11, v3  }
0x6c: {  	v10 =	vadd.s32 v12, v4;
	[tilespmem:$0x60] =	vst v9  }
0x6d: {  	v9 =	vadd.s32 v13, v5;
	[tilespmem:$0x20] =	vst v10  }
0x6e: {  	[tilespmem:$0x10] =	vst v9;
	v9 =	vadd.s32 v14, v6  }
0x6f: {  	v8 =	vadd.s32 v8, v7;
	[tilespmem:$0x40] =	vst v9  }
0x70: {  	[tilespmem:$0x0] =	vst v8  }
0x71: {  	[tilespmem:s6], [sflag:$0x1] =	stream.indirect.gather [hbm4b:s5+s6], $0x1, s2, s6, $0xb8;
	[tilespmem:$0x990] =	vst v63  }
0x72: {  	_ =	swait.ge [sflag:s7], $0x80  }
0x73: {  	[sflag:s7] =	ssyncset.done $0x0  }
0x74: {  	[sflag:s7] =	ssyncadd.s32 $0xFFFFFF80  }
0x75: {  	v8 =	vld [tilespmem:$0x80];
	_ =	sdelay $0x1  }
0x76: {  	v9 =	vld [tilespmem:$0x90];
	_ =	sdelay $0x1  }
0x77: {  	v10 =	vld [tilespmem:$0xA0]  }
0x78: {  	v8 =	vadd.f32 $0.0e+00, v8  }
0x79: {  	v11 =	vld [tilespmem:$0xB0]  }
0x7a: {  	v8 =	vadd.f32 v9, v8  }
0x7b: {  	v9 =	vld [tilespmem:$0xC0]  }
0x7c: {  	v8 =	vadd.f32 v10, v8  }
0x7d: {  	v10 =	vld [tilespmem:$0xD0]  }
0x7e: {  	v8 =	vadd.f32 v11, v8  }
0x7f: {  	v11 =	vld [tilespmem:$0xE0]  }
0x80: {  	v8 =	vadd.f32 v9, v8  }
0x81: {  	v9 =	vld [tilespmem:$0xF0]  }
0x82: {  	v8 =	vadd.f32 v10, v8;
	_ =	sdelay $0x1  }
0x83: {  	v8 =	vadd.f32 v11, v8;
	_ =	sdelay $0x1  }
0x84: {  	v8 =	vadd.f32 v9, v8;
	_ =	sdelay $0x1  }
0x85: {  	[tilespmem:$0x100] =	vst v8  }
0x86: {  	[spmem:s9] =	stream.linear.scatter [tilespmem:s10], [sflag:$0x2], $0x80, $0x38;
	[tilespmem:$0x990] =	vst v63  }
0x87: {  	_ =	swait.ge [sflag:s4], $0x80  }
0x88: {  	[sflag:s4] =	ssyncset.done $0x0  }
0x89: {  	[sflag:s4] =	ssyncadd.s32 $0xFFFFFF80  }
0x8a: {  	[bflag:$0x0] =	sbarrier.arrive $0xFFFF  }
0x8b: {  	[tilespmem:s11], [sflag:$0x2] =	stream.linear.gather @!p0 [spmem:s1], $0x800, $0x38;
	[tilespmem:$0x990] =	vst v63  }
0x8c: {  	_ =	swait.ge @!p0 [sflag:s8], $0x800  }
0x8d: {  	[sflag:s8] =	ssyncset.done @!p0 $0x0  }
0x8e: {  	[sflag:s8] =	ssyncadd.s32 @!p0 $0xFFFFF800  }
0x8f: {  	v8 =	vld @!p0 [tilespmem:$0x180];
	_ =	sdelay $0x1  }
0x90: {  	v9 =	vld @!p0 [tilespmem:$0x200];
	_ =	sdelay $0x1  }
0x91: {  	v10 =	vld @!p0 [tilespmem:$0x280]  }
0x92: {  	v8 =	vadd.f32 @!p0 $0.0e+00, v8  }
0x93: {  	v11 =	vld @!p0 [tilespmem:$0x300]  }
0x94: {  	v8 =	vadd.f32 @!p0 v9, v8  }
0x95: {  	v9 =	vld @!p0 [tilespmem:$0x380]  }
0x96: {  	v8 =	vadd.f32 @!p0 v10, v8  }
0x97: {  	v10 =	vld @!p0 [tilespmem:$0x400]  }
0x98: {  	v8 =	vadd.f32 @!p0 v11, v8  }
0x99: {  	v11 =	vld @!p0 [tilespmem:$0x480]  }
0x9a: {  	v8 =	vadd.f32 @!p0 v9, v8  }
0x9b: {  	v9 =	vld @!p0 [tilespmem:$0x500]  }
0x9c: {  	v8 =	vadd.f32 @!p0 v10, v8  }
0x9d: {  	v10 =	vld @!p0 [tilespmem:$0x580]  }
0x9e: {  	v8 =	vadd.f32 @!p0 v11, v8  }
0x9f: {  	v11 =	vld @!p0 [tilespmem:$0x600]  }
0xa0: {  	v8 =	vadd.f32 @!p0 v9, v8  }
0xa1: {  	v9 =	vld @!p0 [tilespmem:$0x680]  }
0xa2: {  	v8 =	vadd.f32 @!p0 v10, v8  }
0xa3: {  	v10 =	vld @!p0 [tilespmem:$0x700]  }
0xa4: {  	v8 =	vadd.f32 @!p0 v11, v8  }
0xa5: {  	v11 =	vld @!p0 [tilespmem:$0x780]  }
0xa6: {  	v8 =	vadd.f32 @!p0 v9, v8  }
0xa7: {  	v9 =	vld @!p0 [tilespmem:$0x800]  }
0xa8: {  	v8 =	vadd.f32 @!p0 v10, v8  }
0xa9: {  	v10 =	vld @!p0 [tilespmem:$0x880]  }
.Ltmp1:
0xaa: {  	v11 =	vadd.f32 @!p0 v11, v8;
	(pc) =	sbr.rel @p1 .LBB2_1-.Ltmp1, $3  }
0xab: {  	v8 =	vld @!p0 [tilespmem:$0x900]  }
0xac: {  	v9 =	vadd.f32 @!p0 v9, v11;
	_ =	sdelay $0x1  }
0xad: {  	v9 =	vadd.f32 @!p0 v10, v9  }
.LBB2_2:
0xae: {  	_ = 	snop  }
0xaf: {  	v0 =	vadd.f32 @!p0 v8, v9;
	_ =	sdelay $0x1  }
0xb0: {  	s1 =	simm.s32 @!p0 $0x0;
	s2 =	simm.s32 @!p0 $0x100;
	[tilespmem:$0x100] =	vst @!p0 v0  }
0xb1: {  	[hbm4b:s12+s1] =	stream.linear.scatter @!p0 [tilespmem:s2], [sflag:$0x2], $0x80, $0x38;
	[tilespmem:$0x990] =	vst v63  }
0xb2: {  	_ =	swait.ge @!p0 [sflag:s8], $0x80  }
0xb3: {  	[sflag:s8] =	ssyncset.done @!p0 $0x0  }
0xb4: {  	[sflag:s8] =	ssyncadd.s32 @!p0 $0xFFFFFF80  }
0xb5: {  	_ =	sfence.sel $0x180000  }
0xb6: {  	[bflag:$0x0] =	sbarrier.arrive $0xFFFF  }
0xb7: {  	_ =	strace $0x90000047  }
0xb8: {  	s0 =	sadd.s32 @!p0 $0x100000, s0;
	[bflag:$0x2] =	sbarrier.arrive $0xFFFF  }
0xb9: {  	[sflag:s0] =	ssyncadd.tile.s32 @!p0 $0x1;
	_ =	shalt  }
.Lfunc_end2:
_tile_overlayer_lowered:
.L_overlay_start_2:
0xba: {  	(tag) =	ssettag $0x2  }
0xbb: {  	s0 =	rddreg [dreg:$0x0];
	s2 =	stileid.u32  }
0xbc: {  	s1 =	rddreg [dreg:$0x1];
	p0 =	sne.s32 s2, $0x0  }
0xbd: {  	s3 =	rddreg [dreg:$0x2];
	[bflag:$0x3] =	sbarrier.arrive $0xFFFF;
	s2 =	simm.s32 @!p0 $0x1C02  }
0xbe: {  	[timem:s3], [sflag:s2] =	dma.local @!p0 [hbm:s0], s1  }
0xbf: {  	s0 =	simm.s32 @!p0 $0x2  }
0xc0: {  	_ =	swait.ge @!p0 [sflag:s0], s1  }
0xc1: {  	s1 =	ssub.s32 @!p0 $0x0, s1;
	[sflag:s0] =	ssyncset.done @!p0 $0x0  }
0xc2: {  	[sflag:s0] =	ssyncadd.s32 @!p0 s1  }
0xc3: {  	[bflag:$0x3] =	sbarrier.arrive $0xFFFF  }
0xc4: {  	_ =	shalt  }

</sc_bundles>
